<compile_context>
chip_gen: v7x
topology: tpu7x:2x2x1
jax: 0.10.2.dev20260603
libtpu: 0.0.44.dev20260713+nightly
codegen_flags: <defaults>
</compile_context>

<pallas_src>
import jax
import jax.numpy as jnp
from jax import lax
from jax.experimental import pallas as pl
from jax.experimental.pallas import tpu as pltpu
from jax.experimental.pallas import tpu_sc as plsc

NC = 2
NS = 16
NW = NC * NS
LANES = 16

BATCH = 16384
DIM = 128
B_PER_W = BATCH // NW
CHUNK = 256
N_CHUNKS = B_PER_W // CHUNK


def _sc_gather_body(idx_hbm, table_hbm, icept_hbm, grows_hbm, gbias_hbm,
                    idx_v, rows_v, bias_v, sem_t, sem_b, sem_o, sem_ob):
    wid = lax.axis_index("s") * NC + lax.axis_index("c")
    wbase = wid * B_PER_W

    for c in range(N_CHUNKS):
        pltpu.sync_copy(idx_hbm.at[pl.ds(wbase + c * CHUNK, CHUNK)],
                        idx_v[c])
    gathers = [
        pltpu.async_copy(table_hbm.at[idx_v[c]], rows_v[c], sem_t[c])
        for c in range(N_CHUNKS)
    ]
    bias_g = pltpu.async_copy(icept_hbm.at[idx_v[0]], bias_v[0], sem_b[0])
    bias_g2 = pltpu.async_copy(icept_hbm.at[idx_v[1]], bias_v[1], sem_b[1])
    outs = []
    for c in range(N_CHUNKS):
        gathers[c].wait()
        outs.append(pltpu.async_copy(
            rows_v[c], grows_hbm.at[pl.ds(wbase + c * CHUNK, CHUNK)],
            sem_o[c]))
    bias_g.wait()
    bias_g2.wait()
    ob0 = pltpu.async_copy(bias_v[0], gbias_hbm.at[pl.ds(wbase, CHUNK)],
                           sem_ob[0])
    ob1 = pltpu.async_copy(bias_v[1],
                           gbias_hbm.at[pl.ds(wbase + CHUNK, CHUNK)],
                           sem_ob[1])
    for o in outs:
        o.wait()
    ob0.wait()
    ob1.wait()


def _sc_gather(index, table, icept):
    mesh = plsc.VectorSubcoreMesh(
        core_axis_name="c", subcore_axis_name="s",
        num_cores=NC, num_subcores=NS)
    dbl = lambda t: [t, t]
    run = pl.kernel(
        _sc_gather_body,
        out_type=(
            jax.ShapeDtypeStruct((BATCH, DIM), jnp.float32),
            jax.ShapeDtypeStruct((BATCH,), jnp.float32),
        ),
        mesh=mesh,
        compiler_params=pltpu.CompilerParams(needs_layout_passes=False),
        scratch_types=[
            dbl(pltpu.VMEM((CHUNK,), jnp.int32)),
            dbl(pltpu.VMEM((CHUNK, DIM), jnp.float32)),
            dbl(pltpu.VMEM((CHUNK,), jnp.float32)),
            dbl(pltpu.SemaphoreType.DMA),
            dbl(pltpu.SemaphoreType.DMA),
            dbl(pltpu.SemaphoreType.DMA),
            dbl(pltpu.SemaphoreType.DMA),
        ],
    )
    return run(index, table, icept)


TC_BLOCK = 8192


def _tc_dot_body(x_ref, g_ref, b_ref, o_ref):
    prod = x_ref[...] * g_ref[...]
    ones = jnp.ones((1, DIM), jnp.float32)
    res = jax.lax.dot_general(ones, prod, (((1,), (1,)), ((), ())),
                              preferred_element_type=jnp.float32)
    o_ref[...] = (res + b_ref[0]).reshape(1, 1, TC_BLOCK)


def _tc_dot(x, grows, gbias):
    grid = BATCH // TC_BLOCK
    out2d = pl.pallas_call(
        _tc_dot_body,
        grid=(grid,),
        in_specs=[
            pl.BlockSpec((TC_BLOCK, DIM), lambda i: (i, 0)),
            pl.BlockSpec((TC_BLOCK, DIM), lambda i: (i, 0)),
            pl.BlockSpec((1, 1, TC_BLOCK), lambda i: (i, 0, 0)),
        ],
        out_specs=pl.BlockSpec((1, 1, TC_BLOCK), lambda i: (i, 0, 0)),
        out_shape=jax.ShapeDtypeStruct((grid, 1, TC_BLOCK), jnp.float32),
        compiler_params=pltpu.CompilerParams(
            dimension_semantics=("arbitrary",)),
    )(x, grows, gbias.reshape(grid, 1, TC_BLOCK))
    return out2d.reshape(BATCH)


@jax.jit
def _alo_forward(x, index, table, icept):
    grows, gbias = _sc_gather(index, table, icept)
    return _tc_dot(x, grows, gbias)


def kernel(x, index, treeplus_loo_layer, treeplus_loo_intercept):
    index = index.astype(jnp.int32)
    return _alo_forward(x, index, treeplus_loo_layer, treeplus_loo_intercept)

# --- scband reference (transcript-rebuilt; emitter-appended) ---
"""Pipeline reference for scband-alo-tree-plus-expert-19353122636076 (READ-ONLY COPY).

The authoritative reference and input builder live on the scoring server;
editing this copy changes nothing except your own understanding.
"""

import jax, jax.numpy as jnp
import numpy as np

N_TRAIN = 100000
BATCH = 16384
DIM = 128

def setup_inputs(seed: int = 0) -> dict:
    key = jax.random.key(seed)
    k1, k2, k3, k4 = jax.random.split(key, 4)
    x = jax.random.normal(k1, (BATCH, DIM), dtype=jnp.float32)
    index = jax.random.randint(k2, (BATCH,), 0, N_TRAIN, dtype=jnp.int64 if jax.config.read('jax_enable_x64') else jnp.int32)
    # learned parameters sized per init (loo_coefficients_[:, :-1] and loo_coefficients_[:, -1])
    treeplus_loo_layer = jax.random.normal(k3, (N_TRAIN, DIM), dtype=jnp.float32) * 0.02
    treeplus_loo_intercept = jax.random.normal(k4, (N_TRAIN,), dtype=jnp.float32) * 0.02
    return {
        'x': x,
        'index': index,
        'treeplus_loo_layer': treeplus_loo_layer,
        'treeplus_loo_intercept': treeplus_loo_intercept,
    }

def reference(x, index, treeplus_loo_layer, treeplus_loo_intercept):
    # training-mode forward of AloTreePlusExpert:
    # out = sum(x * loo_layer[index, :], dim=1) + loo_intercept[index]
    gathered = jnp.take(treeplus_loo_layer, index, axis=0)          # [B, D] gather (embedding lookup)
    bias = jnp.take(treeplus_loo_intercept, index, axis=0)          # [B] gather
    out = jnp.sum(x * gathered, axis=1) + bias                      # [B]
    return out

if __name__ == "__main__":
    import jax
    _d = setup_inputs()
    print(jax.jit(kernel)(*tuple(_d.values())))

</pallas_src>

<mosaic_0001>
#map = affine_map<(d0, d1) -> (0)>
#map1 = affine_map<(d0, d1) -> (0, 0)>
module attributes {stable_mosaic.version = 14 : i64} {
  func.func @_sc_gather_body(%arg0: i32, %arg1: i32, %arg2: memref<16384xi32, #tpu.memory_space<hbm>>, %arg3: memref<100000x128xf32, #tpu.memory_space<hbm>>, %arg4: memref<100000xf32, #tpu.memory_space<hbm>>, %arg5: memref<16384x128xf32, #tpu.memory_space<hbm>>, %arg6: memref<16384xf32, #tpu.memory_space<hbm>>, %arg7: memref<256xi32, #tpu.memory_space<vmem>>, %arg8: memref<256xi32, #tpu.memory_space<vmem>>, %arg9: memref<256x128xf32, #tpu.memory_space<vmem>>, %arg10: memref<256x128xf32, #tpu.memory_space<vmem>>, %arg11: memref<256xf32, #tpu.memory_space<vmem>>, %arg12: memref<256xf32, #tpu.memory_space<vmem>>, %arg13: memref<!tpu.dma_semaphore, #tpu.memory_space<semaphore_mem>>, %arg14: memref<!tpu.dma_semaphore, #tpu.memory_space<semaphore_mem>>, %arg15: memref<!tpu.dma_semaphore, #tpu.memory_space<semaphore_mem>>, %arg16: memref<!tpu.dma_semaphore, #tpu.memory_space<semaphore_mem>>, %arg17: memref<!tpu.dma_semaphore, #tpu.memory_space<semaphore_mem>>, %arg18: memref<!tpu.dma_semaphore, #tpu.memory_space<semaphore_mem>>, %arg19: memref<!tpu.dma_semaphore, #tpu.memory_space<semaphore_mem>>, %arg20: memref<!tpu.dma_semaphore, #tpu.memory_space<semaphore_mem>>) attributes {dimension_semantics = [#tpu.dimension_semantics<core_parallel>, #tpu.dimension_semantics<subcore_parallel>], iteration_bounds = array<i64: 2, 16>, scalar_prefetch = 0 : i64, scratch_operands = 14 : i64, tpu.core_type = #tpu.core_type<sc_vector_subcore>, window_params = [{transform_indices = #map}, {transform_indices = #map1}, {transform_indices = #map}, {transform_indices = #map1}, {transform_indices = #map}]} {
    %mul3A = arith.constant 2 : i32
    %mul3A_0 = arith.muli %arg1, %mul3A : i32
    %add3A = arith.addi %mul3A_0, %arg0 : i32
    %mul3A_1 = arith.constant 512 : i32
    %mul3A_2 = arith.muli %add3A, %mul3A_1 : i32
    %add3A_3 = arith.constant 0 : i32
    %add3A_4 = arith.addi %mul3A_2, %add3A_3 : i32
    "tpu.region"() ({
      %run_scoped3A = tpu.sem_alloc : memref<!tpu.dma_semaphore, #tpu.memory_space<semaphore_mem>>
      %dma_start3A_55 = tpu.memref_slice %arg2[%add3A_4] : memref<16384xi32, #tpu.memory_space<hbm>> -> memref<256xi32, #tpu.memory_space<hbm>>
      %dma_start3A_56 = tpu.memref_slice %arg2[%add3A_4] : memref<16384xi32, #tpu.memory_space<hbm>> -> memref<256xi32, #tpu.memory_space<hbm>>
      tpu.enqueue_dma source(%dma_start3A_56 : memref<256xi32, #tpu.memory_space<hbm>>) target(%arg7 : memref<256xi32, #tpu.memory_space<vmem>>) target_semaphore(%run_scoped3A : memref<!tpu.dma_semaphore, #tpu.memory_space<semaphore_mem>>)
      %dma_wait3A_57 = tpu.memref_slice %arg2[%add3A_4] : memref<16384xi32, #tpu.memory_space<hbm>> -> memref<256xi32, #tpu.memory_space<hbm>>
      %dma_wait3A_58 = tpu.memref_slice %arg2[%add3A_4] : memref<16384xi32, #tpu.memory_space<hbm>> -> memref<256xi32, #tpu.memory_space<hbm>>
      tpu.wait_dma2 semaphore(%run_scoped3A : memref<!tpu.dma_semaphore, #tpu.memory_space<semaphore_mem>>) src(%dma_wait3A_58 : memref<256xi32, #tpu.memory_space<hbm>>) dst(%arg7 : memref<256xi32, #tpu.memory_space<vmem>>)
      tpu.yield
    }) : () -> ()
    %add3A_5 = arith.constant 256 : i32
    %add3A_6 = arith.addi %mul3A_2, %add3A_5 : i32
    "tpu.region"() ({
      %run_scoped3A = tpu.sem_alloc : memref<!tpu.dma_semaphore, #tpu.memory_space<semaphore_mem>>
      %dma_start3A_55 = tpu.memref_slice %arg2[%add3A_6] : memref<16384xi32, #tpu.memory_space<hbm>> -> memref<256xi32, #tpu.memory_space<hbm>>
      %dma_start3A_56 = tpu.memref_slice %arg2[%add3A_6] : memref<16384xi32, #tpu.memory_space<hbm>> -> memref<256xi32, #tpu.memory_space<hbm>>
      tpu.enqueue_dma source(%dma_start3A_56 : memref<256xi32, #tpu.memory_space<hbm>>) target(%arg8 : memref<256xi32, #tpu.memory_space<vmem>>) target_semaphore(%run_scoped3A : memref<!tpu.dma_semaphore, #tpu.memory_space<semaphore_mem>>)
      %dma_wait3A_57 = tpu.memref_slice %arg2[%add3A_6] : memref<16384xi32, #tpu.memory_space<hbm>> -> memref<256xi32, #tpu.memory_space<hbm>>
      %dma_wait3A_58 = tpu.memref_slice %arg2[%add3A_6] : memref<16384xi32, #tpu.memory_space<hbm>> -> memref<256xi32, #tpu.memory_space<hbm>>
      tpu.wait_dma2 semaphore(%run_scoped3A : memref<!tpu.dma_semaphore, #tpu.memory_space<semaphore_mem>>) src(%dma_wait3A_58 : memref<256xi32, #tpu.memory_space<hbm>>) dst(%arg8 : memref<256xi32, #tpu.memory_space<vmem>>)
      tpu.yield
    }) : () -> ()
    %dma_start3A = arith.constant 0 : i32
    %dma_start3A_7 = arith.constant 0 : i32
    %dma_start3A_8 = tpu.memref_slice %arg3[%dma_start3A, %dma_start3A_7] : memref<100000x128xf32, #tpu.memory_space<hbm>> -> memref<100000x128xf32, #tpu.memory_space<hbm>>
    tpu.enqueue_indirect_dma source(%dma_start3A_8 : memref<100000x128xf32, #tpu.memory_space<hbm>>) target(%arg9 : memref<256x128xf32, #tpu.memory_space<vmem>>) offsets(%arg7 : memref<256xi32, #tpu.memory_space<vmem>>) semaphore(%arg13 : memref<!tpu.dma_semaphore, #tpu.memory_space<semaphore_mem>>)
    %dma_start3A_9 = arith.constant 0 : i32
    %dma_start3A_10 = arith.constant 0 : i32
    %dma_start3A_11 = tpu.memref_slice %arg3[%dma_start3A_9, %dma_start3A_10] : memref<100000x128xf32, #tpu.memory_space<hbm>> -> memref<100000x128xf32, #tpu.memory_space<hbm>>
    tpu.enqueue_indirect_dma source(%dma_start3A_11 : memref<100000x128xf32, #tpu.memory_space<hbm>>) target(%arg10 : memref<256x128xf32, #tpu.memory_space<vmem>>) offsets(%arg8 : memref<256xi32, #tpu.memory_space<vmem>>) semaphore(%arg14 : memref<!tpu.dma_semaphore, #tpu.memory_space<semaphore_mem>>)
    %dma_start3A_12 = arith.constant 0 : i32
    %dma_start3A_13 = tpu.memref_slice %arg4[%dma_start3A_12] : memref<100000xf32, #tpu.memory_space<hbm>> -> memref<100000xf32, #tpu.memory_space<hbm>>
    tpu.enqueue_indirect_dma source(%dma_start3A_13 : memref<100000xf32, #tpu.memory_space<hbm>>) target(%arg11 : memref<256xf32, #tpu.memory_space<vmem>>) offsets(%arg7 : memref<256xi32, #tpu.memory_space<vmem>>) semaphore(%arg15 : memref<!tpu.dma_semaphore, #tpu.memory_space<semaphore_mem>>)
    %dma_start3A_14 = arith.constant 0 : i32
    %dma_start3A_15 = tpu.memref_slice %arg4[%dma_start3A_14] : memref<100000xf32, #tpu.memory_space<hbm>> -> memref<100000xf32, #tpu.memory_space<hbm>>
    tpu.enqueue_indirect_dma source(%dma_start3A_15 : memref<100000xf32, #tpu.memory_space<hbm>>) target(%arg12 : memref<256xf32, #tpu.memory_space<vmem>>) offsets(%arg8 : memref<256xi32, #tpu.memory_space<vmem>>) semaphore(%arg16 : memref<!tpu.dma_semaphore, #tpu.memory_space<semaphore_mem>>)
    %dma_wait3A = arith.constant 0 : i32
    %dma_wait3A_16 = arith.constant 0 : i32
    %dma_wait3A_17 = tpu.memref_slice %arg3[%dma_wait3A, %dma_wait3A_16] : memref<100000x128xf32, #tpu.memory_space<hbm>> -> memref<100000x128xf32, #tpu.memory_space<hbm>>
    tpu.wait_indirect_dma semaphore(%arg13 : memref<!tpu.dma_semaphore, #tpu.memory_space<semaphore_mem>>) src(%dma_wait3A_17 : memref<100000x128xf32, #tpu.memory_space<hbm>>) dst(%arg9 : memref<256x128xf32, #tpu.memory_space<vmem>>)
    %add3A_18 = arith.constant 0 : i32
    %add3A_19 = arith.addi %mul3A_2, %add3A_18 : i32
    %dma_start3A_20 = arith.constant 0 : i32
    %dma_start3A_21 = tpu.memref_slice %arg5[%add3A_19, %dma_start3A_20] : memref<16384x128xf32, #tpu.memory_space<hbm>> -> memref<256x128xf32, #tpu.memory_space<hbm>>
    %dma_start3A_22 = arith.constant 0 : i32
    %dma_start3A_23 = tpu.memref_slice %arg5[%add3A_19, %dma_start3A_22] : memref<16384x128xf32, #tpu.memory_space<hbm>> -> memref<256x128xf32, #tpu.memory_space<hbm>>
    tpu.enqueue_dma source(%arg9 : memref<256x128xf32, #tpu.memory_space<vmem>>) target(%dma_start3A_23 : memref<256x128xf32, #tpu.memory_space<hbm>>) target_semaphore(%arg17 : memref<!tpu.dma_semaphore, #tpu.memory_space<semaphore_mem>>)
    %dma_wait3A_24 = arith.constant 0 : i32
    %dma_wait3A_25 = arith.constant 0 : i32
    %dma_wait3A_26 = tpu.memref_slice %arg3[%dma_wait3A_24, %dma_wait3A_25] : memref<100000x128xf32, #tpu.memory_space<hbm>> -> memref<100000x128xf32, #tpu.memory_space<hbm>>
    tpu.wait_indirect_dma semaphore(%arg14 : memref<!tpu.dma_semaphore, #tpu.memory_space<semaphore_mem>>) src(%dma_wait3A_26 : memref<100000x128xf32, #tpu.memory_space<hbm>>) dst(%arg10 : memref<256x128xf32, #tpu.memory_space<vmem>>)
    %add3A_27 = arith.constant 256 : i32
    %add3A_28 = arith.addi %mul3A_2, %add3A_27 : i32
    %dma_start3A_29 = arith.constant 0 : i32
    %dma_start3A_30 = tpu.memref_slice %arg5[%add3A_28, %dma_start3A_29] : memref<16384x128xf32, #tpu.memory_space<hbm>> -> memref<256x128xf32, #tpu.memory_space<hbm>>
    %dma_start3A_31 = arith.constant 0 : i32
    %dma_start3A_32 = tpu.memref_slice %arg5[%add3A_28, %dma_start3A_31] : memref<16384x128xf32, #tpu.memory_space<hbm>> -> memref<256x128xf32, #tpu.memory_space<hbm>>
    tpu.enqueue_dma source(%arg10 : memref<256x128xf32, #tpu.memory_space<vmem>>) target(%dma_start3A_32 : memref<256x128xf32, #tpu.memory_space<hbm>>) target_semaphore(%arg18 : memref<!tpu.dma_semaphore, #tpu.memory_space<semaphore_mem>>)
    %dma_wait3A_33 = arith.constant 0 : i32
    %dma_wait3A_34 = tpu.memref_slice %arg4[%dma_wait3A_33] : memref<100000xf32, #tpu.memory_space<hbm>> -> memref<100000xf32, #tpu.memory_space<hbm>>
    tpu.wait_indirect_dma semaphore(%arg15 : memref<!tpu.dma_semaphore, #tpu.memory_space<semaphore_mem>>) src(%dma_wait3A_34 : memref<100000xf32, #tpu.memory_space<hbm>>) dst(%arg11 : memref<256xf32, #tpu.memory_space<vmem>>)
    %dma_wait3A_35 = arith.constant 0 : i32
    %dma_wait3A_36 = tpu.memref_slice %arg4[%dma_wait3A_35] : memref<100000xf32, #tpu.memory_space<hbm>> -> memref<100000xf32, #tpu.memory_space<hbm>>
    tpu.wait_indirect_dma semaphore(%arg16 : memref<!tpu.dma_semaphore, #tpu.memory_space<semaphore_mem>>) src(%dma_wait3A_36 : memref<100000xf32, #tpu.memory_space<hbm>>) dst(%arg12 : memref<256xf32, #tpu.memory_space<vmem>>)
    %dma_start3A_37 = tpu.memref_slice %arg6[%mul3A_2] : memref<16384xf32, #tpu.memory_space<hbm>> -> memref<256xf32, #tpu.memory_space<hbm>>
    %dma_start3A_38 = tpu.memref_slice %arg6[%mul3A_2] : memref<16384xf32, #tpu.memory_space<hbm>> -> memref<256xf32, #tpu.memory_space<hbm>>
    tpu.enqueue_dma source(%arg11 : memref<256xf32, #tpu.memory_space<vmem>>) target(%dma_start3A_38 : memref<256xf32, #tpu.memory_space<hbm>>) target_semaphore(%arg19 : memref<!tpu.dma_semaphore, #tpu.memory_space<semaphore_mem>>)
    %add3A_39 = arith.constant 256 : i32
    %add3A_40 = arith.addi %mul3A_2, %add3A_39 : i32
    %dma_start3A_41 = tpu.memref_slice %arg6[%add3A_40] : memref<16384xf32, #tpu.memory_space<hbm>> -> memref<256xf32, #tpu.memory_space<hbm>>
    %dma_start3A_42 = tpu.memref_slice %arg6[%add3A_40] : memref<16384xf32, #tpu.memory_space<hbm>> -> memref<256xf32, #tpu.memory_space<hbm>>
    tpu.enqueue_dma source(%arg12 : memref<256xf32, #tpu.memory_space<vmem>>) target(%dma_start3A_42 : memref<256xf32, #tpu.memory_space<hbm>>) target_semaphore(%arg20 : memref<!tpu.dma_semaphore, #tpu.memory_space<semaphore_mem>>)
    %dma_wait3A_43 = arith.constant 0 : i32
    %dma_wait3A_44 = tpu.memref_slice %arg5[%add3A_19, %dma_wait3A_43] : memref<16384x128xf32, #tpu.memory_space<hbm>> -> memref<256x128xf32, #tpu.memory_space<hbm>>
    %dma_wait3A_45 = arith.constant 0 : i32
    %dma_wait3A_46 = tpu.memref_slice %arg5[%add3A_19, %dma_wait3A_45] : memref<16384x128xf32, #tpu.memory_space<hbm>> -> memref<256x128xf32, #tpu.memory_space<hbm>>
    tpu.wait_dma2 semaphore(%arg17 : memref<!tpu.dma_semaphore, #tpu.memory_space<semaphore_mem>>) src(%arg9 : memref<256x128xf32, #tpu.memory_space<vmem>>) dst(%dma_wait3A_46 : memref<256x128xf32, #tpu.memory_space<hbm>>)
    %dma_wait3A_47 = arith.constant 0 : i32
    %dma_wait3A_48 = tpu.memref_slice %arg5[%add3A_28, %dma_wait3A_47] : memref<16384x128xf32, #tpu.memory_space<hbm>> -> memref<256x128xf32, #tpu.memory_space<hbm>>
    %dma_wait3A_49 = arith.constant 0 : i32
    %dma_wait3A_50 = tpu.memref_slice %arg5[%add3A_28, %dma_wait3A_49] : memref<16384x128xf32, #tpu.memory_space<hbm>> -> memref<256x128xf32, #tpu.memory_space<hbm>>
    tpu.wait_dma2 semaphore(%arg18 : memref<!tpu.dma_semaphore, #tpu.memory_space<semaphore_mem>>) src(%arg10 : memref<256x128xf32, #tpu.memory_space<vmem>>) dst(%dma_wait3A_50 : memref<256x128xf32, #tpu.memory_space<hbm>>)
    %dma_wait3A_51 = tpu.memref_slice %arg6[%mul3A_2] : memref<16384xf32, #tpu.memory_space<hbm>> -> memref<256xf32, #tpu.memory_space<hbm>>
    %dma_wait3A_52 = tpu.memref_slice %arg6[%mul3A_2] : memref<16384xf32, #tpu.memory_space<hbm>> -> memref<256xf32, #tpu.memory_space<hbm>>
    tpu.wait_dma2 semaphore(%arg19 : memref<!tpu.dma_semaphore, #tpu.memory_space<semaphore_mem>>) src(%arg11 : memref<256xf32, #tpu.memory_space<vmem>>) dst(%dma_wait3A_52 : memref<256xf32, #tpu.memory_space<hbm>>)
    %dma_wait3A_53 = tpu.memref_slice %arg6[%add3A_40] : memref<16384xf32, #tpu.memory_space<hbm>> -> memref<256xf32, #tpu.memory_space<hbm>>
    %dma_wait3A_54 = tpu.memref_slice %arg6[%add3A_40] : memref<16384xf32, #tpu.memory_space<hbm>> -> memref<256xf32, #tpu.memory_space<hbm>>
    tpu.wait_dma2 semaphore(%arg20 : memref<!tpu.dma_semaphore, #tpu.memory_space<semaphore_mem>>) src(%arg12 : memref<256xf32, #tpu.memory_space<vmem>>) dst(%dma_wait3A_54 : memref<256xf32, #tpu.memory_space<hbm>>)
    return
  }
}

module attributes {stable_mosaic.version = 14 : i64} {
  func.func @_tc_dot_body(%arg0: i32, %arg1: memref<8192x128xf32, #tpu.memory_space<vmem>>, %arg2: memref<8192x128xf32, #tpu.memory_space<vmem>>, %arg3: memref<1x1x8192xf32, #tpu.memory_space<vmem>>, %arg4: memref<1x1x8192xf32, #tpu.memory_space<vmem>>) attributes {dimension_semantics = [#tpu.dimension_semantics<arbitrary>], iteration_bounds = array<i64: 2>, scalar_prefetch = 0 : i64, scratch_operands = 0 : i64, tpu.core_type = #tpu.core_type<tc>, window_params = [{transform_indices = @transform_0, window_bounds = array<i64: 8192, 128>}, {transform_indices = @transform_1, window_bounds = array<i64: 8192, 128>}, {transform_indices = @transform_2, window_bounds = array<i64: 1, 1, 8192>}, {transform_indices = @transform_3, window_bounds = array<i64: 1, 1, 8192>}]} {
    %get3A = arith.constant 0 : index
    %get3A_0 = arith.constant 0 : index
    %get3A_1 = vector.load %arg1[%get3A, %get3A_0] : memref<8192x128xf32, #tpu.memory_space<vmem>>, vector<8192x128xf32>
    %get3A_2 = arith.constant 0 : index
    %get3A_3 = arith.constant 0 : index
    %get3A_4 = vector.load %arg2[%get3A_2, %get3A_3] : memref<8192x128xf32, #tpu.memory_space<vmem>>, vector<8192x128xf32>
    %mul3A = arith.mulf %get3A_1, %get3A_4 : vector<8192x128xf32>
    %broadcast_in_dim3A = arith.constant 1.000000e+00 : f32
    %broadcast_in_dim3A_5 = vector.broadcast %broadcast_in_dim3A : f32 to vector<1x128xf32>
    %dot_general3A = arith.constant dense<0.000000e+00> : vector<1x8192xf32>
    %dot_general3A_6 = tpu.matmul %broadcast_in_dim3A_5, %mul3A, %dot_general3A {dimension_numbers = #tpu.dot_dimension_numbers<[1], [1], [0], [0], [0, 0, 1, 0], [], []>, transpose_lhs_hint = false} : vector<1x128xf32>, vector<8192x128xf32>, vector<1x8192xf32> -> vector<1x8192xf32>
    %get3A_7 = arith.constant 0 : index
    %get3A_8 = arith.constant 0 : index
    %get3A_9 = arith.constant 0 : index
    %get3A_10 = vector.load %arg3[%get3A_7, %get3A_8, %get3A_9] : memref<1x1x8192xf32, #tpu.memory_space<vmem>>, vector<1x1x8192xf32>
    %get3A_11 = vector.shape_cast %get3A_10 : vector<1x1x8192xf32> to vector<1x8192xf32>
    %add3A = arith.addf %dot_general3A_6, %get3A_11 : vector<1x8192xf32>
    %reshape3A = vector.shape_cast %add3A : vector<1x8192xf32> to vector<1x1x8192xf32>
    %swap3A = arith.constant 0 : index
    %swap3A_12 = arith.constant 0 : index
    %swap3A_13 = arith.constant 0 : index
    %swap3A_14 = vector.load %arg4[%swap3A, %swap3A_12, %swap3A_13] : memref<1x1x8192xf32, #tpu.memory_space<vmem>>, vector<1x1x8192xf32>
    tpu.vector_store %arg4[%swap3A, %swap3A_12, %swap3A_13], %reshape3A {strides = array<i32>} : memref<1x1x8192xf32, #tpu.memory_space<vmem>>, vector<1x1x8192xf32>,
    return
  }
  func.func @transform_0(%arg0: i32) -> (i32, i32) {
    %c0_i32 = arith.constant 0 : i32
    %c0_i32_0 = arith.constant 0 : i32
    return %arg0, %c0_i32 : i32, i32
  }
  func.func @transform_1(%arg0: i32) -> (i32, i32) {
    %c0_i32 = arith.constant 0 : i32
    %c0_i32_0 = arith.constant 0 : i32
    return %arg0, %c0_i32 : i32, i32
  }
  func.func @transform_2(%arg0: i32) -> (i32, i32, i32) {
    %c0_i32 = arith.constant 0 : i32
    %c0_i32_0 = arith.constant 0 : i32
    %c0_i32_1 = arith.constant 0 : i32
    return %arg0, %c0_i32, %c0_i32_0 : i32, i32, i32
  }
  func.func @transform_3(%arg0: i32) -> (i32, i32, i32) {
    %c0_i32 = arith.constant 0 : i32
    %c0_i32_0 = arith.constant 0 : i32
    %c0_i32_1 = arith.constant 0 : i32
    return %arg0, %c0_i32, %c0_i32_0 : i32, i32, i32
  }
}

</mosaic_0001>

<sc_bundles>
// kernel: _alo_forward.4.cloned.1.call-start
scs
__scs_entry_jumppad:
0x0: {  	(pc) =	sbr.rel $0x88, $3  }
0x1: {  	(tag) =	ssettag $0x0;
	lr =	simm.s32 $0x1  }
0x2: {  	[smem:$0x3F9D] =	sst lr;
	_ =	strace $0xD0000000  }
0x3: {  	_ = 	snop  }
0x4: {  	_ = 	snop  }
0x5: {  	_ = 	snop  }
0x6: {  	_ = 	snop  }
0x7: {  	_ = 	snop  }
__scs_overlays_trampoline_lowered:
0x8: {  	[smem:$0x3FAC] =	sst s0  }
0x9: {  	[smem:$0x3FAD] =	sst s1  }
0xa: {  	[smem:$0x3FAE] =	sst s2  }
0xb: {  	[smem:$0x3FAF] =	sst s3  }
0xc: {  	[smem:$0x3FB0] =	sst s4  }
0xd: {  	[smem:$0x3FB1] =	sst s5  }
0xe: {  	[smem:$0x3FB2] =	sst s6  }
0xf: {  	[smem:$0x3FB3] =	sst s7  }
0x10: {  	[smem:$0x3FB4] =	sst s8  }
0x11: {  	[smem:$0x3FB5] =	sst s9;
	s0 =	simm.s32 @!p0 $0x0  }
0x12: {  	s1 =	sld [smem:$0x3F9B];
	s0 =	simm.s32 @p0 $0x1  }
0x13: {  	[smem:$0x3FB6] =	sst s0;
	s0 =	simm.s32 @!p1 $0x0  }
0x14: {  	s2 =	sld [smem:$0x3F9A];
	s0 =	simm.s32 @p1 $0x1  }
0x15: {  	[smem:$0x3FB7] =	sst s0;
	s0 =	simm.s32 @!p2 $0x0  }
0x16: {  	s3 =	sld [smem:$0x3FDB];
	s0 =	simm.s32 @p2 $0x1  }
0x17: {  	s4 =	simm.s32 $0x1BF5;
	[smem:$0x3FB9] =	sst s0  }
0x18: {  	s0 =	sld [smem:$0x3F9C];
	_ =	swait.ge [sflag:s4], $0x0  }
0x19: {  	s7 =	sld [smem:$0x3F9D]  }
0x1a: {  	s8 =	sadd.s32 $0xFFFFE003, lr  }
0x1b: {  	s9 =	sadd.s32 $0xFFFFFEF7, lr;
	s5 =	simm.s32 $0xFFFFFFFF;
	p2 =	slt.u32 s8, $0xFFFFF086  }
0x1c: {  	p1 =	slt.u32 s9, $0xF7A;
	s5 =	simm.s32 @!p2 $0x0  }
0x1d: {  	s5 =	simm.s32 @p1 $0x1;
	p0 =	seq.s32 s7, s2  }
0x1e: {  	s7 =	smul.u32 @!p0 $0xF7A, s2;
	p2 =	seq.s32 @!p0 s5, $0x0  }
0x1f: {  	s9 =	smul.u32 $0xF7A, s1;
	s8 =	simm.s32 @!p0 $0x1BF5;
	p2 =	por !p2, p0  }
0x20: {  	[sflag:s8] =	ssyncset.s32 @!p0 $0xFFFFF086;
	s6 =	sadd.s32 @!p0 s3, s7;
	s7 =	simm.s32 @!p0 $0x108  }
0x21: {  	s3 =	sadd.s32 s3, s9;
	s6 =	sadd.s32 @!p0 $0x88, s6;
	s7 =	simm.s32 @p2 $0x1082  }
0x22: {  	[simem:s7], [sflag:s8] =	dma.local @!p0 [hbm:s6], $0xF7A  }
0x23: {  	s9 =	sor.u32 $0xD0000000, s2;
	s6 =	simm.s32 $0x108;
	_ =	swait.ge @!p0 [sflag:s8], $0x0  }
0x24: {  	s3 =	sadd.s32 $0x88, s3;
	s6 =	simm.s32 @!p1 $0x1082;
	[sflag:s4] =	ssyncset.s32 $0xFFFFF086  }
0x25: {  	[simem:s6], [sflag:s4] =	dma.local [hbm:s3], $0xF7A  }
0x26: {  	[smem:$0x3F9D] =	sst s1;
	(tag) =	ssettag s2;
	_ =	strace s9  }
0x27: {  	s1 =	sld [smem:$0x3FAD]  }
0x28: {  	s2 =	sld [smem:$0x3FAE]  }
0x29: {  	s4 =	sld [smem:$0x3FB0]  }
0x2a: {  	p0 =	seq.s32 s5, $0x0;
	s5 =	sld [smem:$0x3FB1]  }
0x2b: {  	s6 =	sld [smem:$0x3FB2]  }
0x2c: {  	s7 =	sld [smem:$0x3FB3]  }
0x2d: {  	s3 =	simm.s32 $0x108;
	s8 =	sld [smem:$0x3FB4]  }
0x2e: {  	s3 =	simm.s32 @!p0 $0x1082;
	s9 =	sld [smem:$0x3FB5]  }
0x2f: {  	lr =	sadd.s32 s0, s3;
	s0 =	sld [smem:$0x3FAC]  }
0x30: {  	s3 =	sld [smem:$0x3FAF]  }
0x31: {  	[smem:$0x3FB8] =	sst s10  }
0x32: {  	s10 =	sld [smem:$0x3FB6];
	_ =	sdelay $0x3  }
0x33: {  	p0 =	seq.s32 s10, $0x1;
	s10 =	sld [smem:$0x3FB8];
	_ =	sdelay $0x3  }
0x34: {  	[smem:$0x3FB8] =	sst s10  }
0x35: {  	s10 =	sld [smem:$0x3FB7];
	_ =	sdelay $0x3  }
0x36: {  	p1 =	seq.s32 s10, $0x1;
	s10 =	sld [smem:$0x3FB8];
	_ =	sdelay $0x3  }
0x37: {  	[smem:$0x3FB8] =	sst s10  }
0x38: {  	s10 =	sld [smem:$0x3FB9]  }
0x39: {  	_ = 	snop;
	(pc) =	sbr.ind lr, $3  }
0x3a: {  	_ = 	snop  }
0x3b: {  	_ = 	snop  }
0x3c: {  	p2 =	seq.s32 s10, $0x1;
	s10 =	sld [smem:$0x3FB8]  }
0x3d: {  	_ =	shalt  }
0x3e: {  	_ =	shalt  }
0x3f: {  	_ =	shalt  }
0x40: {  	_ =	shalt  }
0x41: {  	_ =	shalt  }
0x42: {  	_ =	shalt  }
0x43: {  	_ =	shalt  }
0x44: {  	_ =	shalt  }
0x45: {  	_ =	shalt  }
0x46: {  	_ =	shalt  }
0x47: {  	_ =	shalt  }
0x48: {  	_ =	shalt  }
0x49: {  	_ =	shalt  }
0x4a: {  	_ =	shalt  }
0x4b: {  	_ =	shalt  }
0x4c: {  	_ =	shalt  }
0x4d: {  	_ =	shalt  }
0x4e: {  	_ =	shalt  }
0x4f: {  	_ =	shalt  }
0x50: {  	_ =	shalt  }
0x51: {  	_ =	shalt  }
0x52: {  	_ =	shalt  }
0x53: {  	_ =	shalt  }
0x54: {  	_ =	shalt  }
0x55: {  	_ =	shalt  }
0x56: {  	_ =	shalt  }
0x57: {  	_ =	shalt  }
0x58: {  	_ =	shalt  }
0x59: {  	_ =	shalt  }
0x5a: {  	_ =	shalt  }
0x5b: {  	_ =	shalt  }
0x5c: {  	_ =	shalt  }
0x5d: {  	_ =	shalt  }
0x5e: {  	_ =	shalt  }
0x5f: {  	_ =	shalt  }
0x60: {  	_ =	shalt  }
0x61: {  	_ =	shalt  }
0x62: {  	_ =	shalt  }
0x63: {  	_ =	shalt  }
0x64: {  	_ =	shalt  }
0x65: {  	_ =	shalt  }
0x66: {  	_ =	shalt  }
0x67: {  	_ =	shalt  }
0x68: {  	_ =	shalt  }
0x69: {  	_ =	shalt  }
0x6a: {  	_ =	shalt  }
0x6b: {  	_ =	shalt  }
0x6c: {  	_ =	shalt  }
0x6d: {  	_ =	shalt  }
0x6e: {  	_ =	shalt  }
0x6f: {  	_ =	shalt  }
0x70: {  	_ =	shalt  }
0x71: {  	_ =	shalt  }
0x72: {  	_ =	shalt  }
0x73: {  	_ =	shalt  }
0x74: {  	_ =	shalt  }
0x75: {  	_ =	shalt  }
0x76: {  	_ =	shalt  }
0x77: {  	_ =	shalt  }
0x78: {  	_ =	shalt  }
0x79: {  	_ =	shalt  }
0x7a: {  	_ =	shalt  }
0x7b: {  	_ =	shalt  }
0x7c: {  	_ =	shalt  }
0x7d: {  	_ =	shalt  }
0x7e: {  	_ =	shalt  }
0x7f: {  	_ =	shalt  }
0x80: {  	_ =	shalt  }
0x81: {  	_ =	shalt  }
0x82: {  	_ =	shalt  }
0x83: {  	_ =	shalt  }
0x84: {  	_ =	shalt  }
0x85: {  	_ =	shalt  }
0x86: {  	_ =	shalt  }
0x87: {  	_ =	shalt  }
.Lfunc_end0:
.L_simem_size_0:
called_computation_lowered:
.L_overlay_start_0:
0x88: {  	s2 =	sld [smem:$0x3FD9]  }
0x89: {  	s3 =	sld [smem:$0x3FFE];
	_ =	sdelay $0x1  }
0x8a: {  	s1 =	srdreg.scid  }
0x8b: {  	s0 =	sand.u32 $0x1, s1  }
0x8c: {  	s17 =	sshll.u32 s0, $0xA;
	s2 =	sadd.s32 s3, s2  }
0x8d: {  	s2 =	sadd.s32 s2, s17  }
0x8e: {  	[smem:$0x3FC4] =	sst s2  }
0x8f: {  	_ = 	snop  }
0x90: {  	s2 =	sld [smem:$0x3FC8]  }
0x91: {  	s18 =	sld [smem:$0x3FC7]  }
0x92: {  	s4 =	sld [smem:$0x3FC6]  }
0x93: {  	s5 =	sld [smem:$0x3FD0];
	(tm) =	ssettm $0x1  }
0x94: {  	s6 =	sld [smem:$0x3FFB];
	_ =	sdelay $0x3  }
0x95: {  	_ =	strace s6  }
0x96: {  	s6 =	sld [smem:$0x3FFC];
	_ =	sdelay $0x3  }
0x97: {  	_ =	strace s6  }
0x98: {  	s6 =	sld [smem:$0x3FFD];
	_ =	sdelay $0x3  }
0x99: {  	_ =	strace s6  }
0x9a: {  	_ =	strace $0x8FFFFFFF  }
0x9b: {  	s19 =	sld [smem:$0x3FDB];
	_ =	sdelay $0x1  }
0x9c: {  	s7 =	simm.s32 $_scs_section_size  }
0x9d: {  	s8 =	simm.s32 $_size__tile_overlayer_lowered;
	s9 =	simm.s32 $_tile_overlayer_lowered  }
0x9e: {  	s22 =	simm.s32 $0x1BFF;
	s21 =	sshll.u32 s9, $0x1;
	s6 =	sadd.s32 s7, s19  }
0x9f: {  	s10 =	simm.s32 $0x0;
	s20 =	sshll.u32 s8, $0x1;
	s8 =	sadd.s32 s21, s6  }
0xa0: {  	[timem:s10], [sflag:s22] =	dma.local [hbm:s8], s20  }
0xa1: {  	_ =	swait.ge [sflag:s22], s20  }
0xa2: {  	s7 =	ssub.s32 $0x0, s20;
	[sflag:s22] =	ssyncset.done $0x0  }
0xa3: {  	[sflag:s22] =	ssyncadd.s32 s7;
	_ =	sdelay $0x1  }
0xa4: {  	s23 =	simm.s32 $0x1B8B  }
0xa5: {  	_ =	swait.ge [sflag:s23], $0x1  }
0xa6: {  	[sflag:s23] =	ssyncset.done $0x0  }
0xa7: {  	s25 =	simm.s32 $0x1B8E;
	s24 =	sld [smem:$0x3FFE];
	[sflag:s23] =	ssyncadd.s32 $0xFFFFFFFF  }
0xa8: {  	s26 =	simm.s32 $execute0_lowered;
	[smem:$0x3FD2] =	sst s25  }
0xa9: {  	s8 =	sshll.u32 s26, $0x1;
	_ =	strace $0x80000046;
	[dreg:$0x1] =	wrdreg $0xFFFFFFFF  }
0xaa: {  	s28 =	simm.s32 $_size_execute0_lowered;
	s6 =	sadd.s32 s6, s8;
	[dreg:$0x0] =	wrdreg $0x0  }
0xab: {  	s8 =	sshll.u32 s28, $0x1;
	[dreg:$0x2] =	wrdreg s6  }
0xac: {  	[dreg:$0x3] =	wrdreg s8  }
0xad: {  	[dreg:$0x4] =	wrdreg $0xC0  }
0xae: {  	_ =	task [dreg:s10], $0x5FFFF  }
0xaf: {  	[dreg:$0x1] =	wrdreg $0xFFFFFFFF  }
0xb0: {  	[dreg:$0x0] =	wrdreg $0x60  }
0xb1: {  	[dreg:$0x2] =	wrdreg s2  }
0xb2: {  	[dreg:$0x3] =	wrdreg s18  }
0xb3: {  	[dreg:$0x4] =	wrdreg s4  }
0xb4: {  	[dreg:$0x5] =	wrdreg s24  }
0xb5: {  	[dreg:$0x6] =	wrdreg s5  }
0xb6: {  	[dreg:$0x7] =	wrdreg $0x9  }
0xb7: {  	_ =	task.clear_ibuf [dreg:s10], $0x8FFFF;
	_ =	strace $0x90000046  }
0xb8: {  	s29 =	simm.s32 $0x9;
	_ =	strace $0x80000048  }
0xb9: {  	_ =	swait.ge [sflag:s29], $0x1  }
0xba: {  	[sflag:s29] =	ssyncadd.s32 $0xFFFFFFFF  }
0xbb: {  	_ =	strace $0x90000048  }
0xbc: {  	_ =	sfence  }
0xbd: {  	s30 =	sld [smem:$0x0];
	_ =	sdelay $0x2  }
0xbe: {  	s31 =	sshll.u32 s1, $0xD;
	s1 =	sshrl.u32 s1, $0x2  }
0xbf: {  	s3 =	sand.u32 $0x4000, s31;
	s1 =	sadd.s32 s1, s30  }
0xc0: {  	s0 =	sor.u32 s3, s0;
	s1 =	sshll.u32 s1, $0x11  }
0xc1: {  	s0 =	sor.u32 s1, s0  }
0xc2: {  	s0 =	sadd.s32 $0x8F2B, s0  }
0xc3: {  	[sflag:s0] =	ssyncadd.remote.s32 $0x1  }
0xc4: {  	_ =	sfence.sel $0xFFFF  }
0xc5: {  	[dreg:$0x0] =	wrdreg $0xFFFFFFFF;
	(pc) =	sbr.abs _section_cstart, $3  }
0xc6: {  	[dreg:$0x1] =	wrdreg $0xFFFFFFFF  }
0xc7: {  	_ =	task.clear_ibuf [dreg:s10], $0x2FFFF;
	_ =	strace $0x9FFFFFFF  }
0xc8: {  	(tm) =	ssettm $0x7FFFFFFF  }
0xc9: {  	_ =	shalt  }
tec
execute0_lowered:
.L_overlay_start_1:
0x0: {  	(tag) =	ssettag $0x1  }
0x1: {  	s7 =	rddreg [dreg:$0x0]  }
0x2: {  	s1 =	rddreg [dreg:$0x1]  }
0x3: {  	s2 =	rddreg [dreg:$0x2];
	s3 =	srdreg.scid  }
0x4: {  	s14 =	rddreg [dreg:$0x3];
	s0 =	stileid.u32;
	s23 =	sand.u32 $0x1, s3  }
0x5: {  	s20 =	rddreg [dreg:$0x4];
	s5 =	sshll.u32 s0, $0xA;
	s6 =	sshll.u32 s23, $0x9  }
0x6: {  	s4 =	simm.s32 $0x0;
	s3 =	rddreg [dreg:$0x5];
	s15 =	sor.u32 s6, s5  }
0x7: {  	[smem:$0x7FF] =	sst s4;
	s19 =	sshrl.u32 s15, $0x3  }
0x8: {  	_ =	strace $0x80000047;
	s6 =	simm.s32 $0x9;
	s5 =	sadd.s32 s7, s19  }
0x9: {  	[tilespmem:s4], [sflag:$0x9] =	stream.linear.gather [hbm4b:s5+s4], $0x100, $0x38;
	[tilespmem:$0x10400] =	vst v63  }
0xa: {  	s16 =	sor.u32 $0x100, s15;
	_ =	swait.ge [sflag:s6], $0x100  }
0xb: {  	s21 =	sshrl.u32 s16, $0x3;
	[sflag:s6] =	ssyncset.done $0x0  }
0xc: {  	s8 =	simm.s32 $0x100;
	s7 =	sadd.s32 s7, s21;
	[sflag:s6] =	ssyncadd.s32 $0xFFFFFF00  }
0xd: {  	[tilespmem:s8], [sflag:$0x9] =	stream.linear.gather [hbm4b:s7+s4], $0x100, $0x38;
	[tilespmem:$0x10400] =	vst v63  }
0xe: {  	_ =	swait.ge [sflag:s6], $0x100  }
0xf: {  	[sflag:s6] =	ssyncset.done $0x0  }
0x10: {  	s9 =	simm.s32 $0x200;
	[sflag:s6] =	ssyncadd.s32 $0xFFFFFF00  }
0x11: {  	[tilespmem:s9], [sflag:$0x1] =	stream.indirect.gather [hbm4b:s1+s8], $0x80, s4, s8, $0xb8;
	[tilespmem:$0x10400] =	vst v63  }
0x12: {  	s10 =	simm.s32 $0x8200  }
0x13: {  	[tilespmem:s10], [sflag:$0x2] =	stream.indirect.gather [hbm4b:s1+s8], $0x80, s8, s8, $0xb8;
	[tilespmem:$0x10400] =	vst v63  }
0x14: {  	s11 =	simm.s32 $0x10200  }
0x15: {  	[tilespmem:s11], [sflag:$0x3] =	stream.indirect.gather [hbm4b:s2+s8], $0x1, s4, s8, $0xb8;
	[tilespmem:$0x10400] =	vst v63  }
0x16: {  	s12 =	simm.s32 $0x10300;
	s13 =	simm.s32 $0x1  }
0x17: {  	[tilespmem:s12], [sflag:$0x4] =	stream.indirect.gather [hbm4b:s2+s8], $0x1, s8, s8, $0xb8;
	[tilespmem:$0x10400] =	vst v63  }
0x18: {  	_ =	swait.ge [sflag:s13], $0x8000  }
0x19: {  	s17 =	sadd.s32 $0xE00, s14;
	s31 =	sshll.u32 s15, $0x4;
	[sflag:s13] =	ssyncset.done $0x0  }
0x1a: {  	s15 =	simm.s32 $0x2;
	s14 =	sadd.s32 s17, s31;
	[sflag:s13] =	ssyncadd.s32 $0xFFFF8000  }
0x1b: {  	[hbm4b:s14+s4] =	stream.linear.scatter [tilespmem:s9], [sflag:$0x5], $0x8000, $0x38;
	[tilespmem:$0x10400] =	vst v63  }
0x1c: {  	_ =	swait.ge [sflag:s15], $0x8000  }
0x1d: {  	s16 =	sshll.u32 s16, $0x4;
	[sflag:s15] =	ssyncset.done $0x0  }
0x1e: {  	s16 =	sadd.s32 s17, s16;
	s17 =	simm.s32 $0x3;
	[sflag:s15] =	ssyncadd.s32 $0xFFFF8000  }
0x1f: {  	[hbm4b:s16+s4] =	stream.linear.scatter [tilespmem:s10], [sflag:$0x6], $0x8000, $0x38;
	[tilespmem:$0x10400] =	vst v63  }
0x20: {  	_ =	swait.ge [sflag:s17], $0x100  }
0x21: {  	[sflag:s17] =	ssyncset.done $0x0  }
0x22: {  	s18 =	simm.s32 $0x4;
	[sflag:s17] =	ssyncadd.s32 $0xFFFFFF00  }
0x23: {  	_ =	swait.ge [sflag:s18], $0x100  }
0x24: {  	[sflag:s18] =	ssyncset.done $0x0  }
0x25: {  	s19 =	sadd.s32 s20, s19;
	[sflag:s18] =	ssyncadd.s32 $0xFFFFFF00  }
0x26: {  	[hbm4b:s19+s4] =	stream.linear.scatter [tilespmem:s11], [sflag:$0x7], $0x100, $0x38;
	[tilespmem:$0x10400] =	vst v63  }
0x27: {  	s20 =	sadd.s32 s20, s21;
	s21 =	simm.s32 $0x5  }
0x28: {  	[hbm4b:s20+s4] =	stream.linear.scatter [tilespmem:s12], [sflag:$0x8], $0x100, $0x38;
	[tilespmem:$0x10400] =	vst v63  }
0x29: {  	_ =	swait.ge [sflag:s21], $0x8000  }
0x2a: {  	s24 =	ssub.s32 $0x2, s23;
	[sflag:s21] =	ssyncset.done $0x0  }
0x2b: {  	s22 =	simm.s32 $0x6;
	s25 =	sshrl.u32 s24, $0x1;
	[sflag:s21] =	ssyncadd.s32 $0xFFFF8000  }
0x2c: {  	s24 =	ssub.s32 s24, s25;
	_ =	swait.ge [sflag:s22], $0x8000  }
0x2d: {  	s25 =	smax.u32 s24, $0x1;
	[sflag:s22] =	ssyncset.done $0x0  }
0x2e: {  	s23 =	simm.s32 $0x7;
	p0 =	sne.s32 s25, $0x1;
	[sflag:s22] =	ssyncadd.s32 $0xFFFF8000  }
.Ltmp0:
0x2f: {  	_ =	swait.ge [sflag:s23], $0x100;
	(pc) =	sbr.rel @!p0 .LBB2_2-.Ltmp0, $4  }
0x30: {  	[sflag:s23] =	ssyncset.done $0x0  }
0x31: {  	s24 =	simm.s32 $0x8;
	[sflag:s23] =	ssyncadd.s32 $0xFFFFFF00  }
0x32: {  	_ =	swait.ge [sflag:s24], $0x100  }
0x33: {  	s25 =	sadd.s32 $0xFFFFFFFF, s25;
	[sflag:s24] =	ssyncset.done $0x0  }
.LBB2_1:
0x34: {  	p0 =	sne.s32 s25, $0x1;
	s25 =	sadd.s32 $0xFFFFFFFF, s25;
	[sflag:s24] =	ssyncadd.s32 $0xFFFFFF00  }
0x35: {  	[tilespmem:s4], [sflag:$0x9] =	stream.linear.gather [hbm4b:s5+s4], $0x100, $0x38;
	[tilespmem:$0x10400] =	vst v63  }
0x36: {  	_ =	swait.ge [sflag:s6], $0x100  }
0x37: {  	[sflag:s6] =	ssyncset.done $0x0  }
0x38: {  	[sflag:s6] =	ssyncadd.s32 $0xFFFFFF00  }
0x39: {  	[tilespmem:s8], [sflag:$0x9] =	stream.linear.gather [hbm4b:s7+s4], $0x100, $0x38;
	[tilespmem:$0x10400] =	vst v63  }
0x3a: {  	_ =	swait.ge [sflag:s6], $0x100  }
0x3b: {  	[sflag:s6] =	ssyncset.done $0x0  }
0x3c: {  	[sflag:s6] =	ssyncadd.s32 $0xFFFFFF00  }
0x3d: {  	[tilespmem:s9], [sflag:$0x1] =	stream.indirect.gather [hbm4b:s1+s8], $0x80, s4, s8, $0xb8;
	[tilespmem:$0x10400] =	vst v63  }
0x3e: {  	_ = 	snop  }
0x3f: {  	[tilespmem:s10], [sflag:$0x2] =	stream.indirect.gather [hbm4b:s1+s8], $0x80, s8, s8, $0xb8;
	[tilespmem:$0x10400] =	vst v63  }
0x40: {  	_ = 	snop  }
0x41: {  	[tilespmem:s11], [sflag:$0x3] =	stream.indirect.gather [hbm4b:s2+s8], $0x1, s4, s8, $0xb8;
	[tilespmem:$0x10400] =	vst v63  }
0x42: {  	_ = 	snop  }
0x43: {  	[tilespmem:s12], [sflag:$0x4] =	stream.indirect.gather [hbm4b:s2+s8], $0x1, s8, s8, $0xb8;
	[tilespmem:$0x10400] =	vst v63  }
0x44: {  	_ =	swait.ge [sflag:s13], $0x8000  }
0x45: {  	[sflag:s13] =	ssyncset.done $0x0  }
0x46: {  	[sflag:s13] =	ssyncadd.s32 $0xFFFF8000  }
0x47: {  	[hbm4b:s14+s4] =	stream.linear.scatter [tilespmem:s9], [sflag:$0x5], $0x8000, $0x38;
	[tilespmem:$0x10400] =	vst v63  }
0x48: {  	_ =	swait.ge [sflag:s15], $0x8000  }
0x49: {  	[sflag:s15] =	ssyncset.done $0x0  }
0x4a: {  	[sflag:s15] =	ssyncadd.s32 $0xFFFF8000  }
0x4b: {  	[hbm4b:s16+s4] =	stream.linear.scatter [tilespmem:s10], [sflag:$0x6], $0x8000, $0x38;
	[tilespmem:$0x10400] =	vst v63  }
0x4c: {  	_ =	swait.ge [sflag:s17], $0x100  }
0x4d: {  	[sflag:s17] =	ssyncset.done $0x0  }
0x4e: {  	[sflag:s17] =	ssyncadd.s32 $0xFFFFFF00  }
0x4f: {  	_ =	swait.ge [sflag:s18], $0x100  }
0x50: {  	[sflag:s18] =	ssyncset.done $0x0  }
0x51: {  	[sflag:s18] =	ssyncadd.s32 $0xFFFFFF00  }
0x52: {  	[hbm4b:s19+s4] =	stream.linear.scatter [tilespmem:s11], [sflag:$0x7], $0x100, $0x38;
	[tilespmem:$0x10400] =	vst v63  }
0x53: {  	_ = 	snop  }
0x54: {  	[hbm4b:s20+s4] =	stream.linear.scatter [tilespmem:s12], [sflag:$0x8], $0x100, $0x38;
	[tilespmem:$0x10400] =	vst v63  }
0x55: {  	_ =	swait.ge [sflag:s21], $0x8000  }
0x56: {  	[sflag:s21] =	ssyncset.done $0x0  }
0x57: {  	[sflag:s21] =	ssyncadd.s32 $0xFFFF8000  }
0x58: {  	_ =	swait.ge [sflag:s22], $0x8000  }
0x59: {  	[sflag:s22] =	ssyncset.done $0x0  }
0x5a: {  	[sflag:s22] =	ssyncadd.s32 $0xFFFF8000  }
.Ltmp1:
0x5b: {  	_ =	swait.ge [sflag:s23], $0x100;
	(pc) =	sbr.rel @p0 .LBB2_1-.Ltmp1, $4  }
0x5c: {  	[sflag:s23] =	ssyncset.done $0x0  }
0x5d: {  	[sflag:s23] =	ssyncadd.s32 $0xFFFFFF00  }
0x5e: {  	_ =	swait.ge [sflag:s24], $0x100  }
0x5f: {  	[sflag:s24] =	ssyncset.done $0x0  }
.LBB2_2:
0x60: {  	[sflag:s24] =	ssyncadd.s32 $0xFFFFFF00  }
0x61: {  	_ =	sfence.sel $0x180000  }
0x62: {  	[bflag:$0x0] =	sbarrier.arrive $0xFFFF  }
0x63: {  	p0 =	sne.s32 s0, $0x0;
	_ =	strace $0x90000047  }
0x64: {  	s0 =	sadd.s32 @!p0 $0x100000, s3;
	[bflag:$0x2] =	sbarrier.arrive $0xFFFF  }
0x65: {  	[sflag:s0] =	ssyncadd.tile.s32 @!p0 $0x1;
	_ =	shalt  }
.Lfunc_end2:
_tile_overlayer_lowered:
.L_overlay_start_2:
0x66: {  	(tag) =	ssettag $0x2  }
0x67: {  	s0 =	rddreg [dreg:$0x0];
	s2 =	stileid.u32  }
0x68: {  	s1 =	rddreg [dreg:$0x1];
	p0 =	sne.s32 s2, $0x0  }
0x69: {  	s3 =	rddreg [dreg:$0x2];
	[bflag:$0x3] =	sbarrier.arrive $0xFFFF;
	s2 =	simm.s32 @!p0 $0x1C09  }
0x6a: {  	[timem:s3], [sflag:s2] =	dma.local @!p0 [hbm:s0], s1  }
0x6b: {  	s0 =	simm.s32 @!p0 $0x9  }
0x6c: {  	_ =	swait.ge @!p0 [sflag:s0], s1  }
0x6d: {  	s1 =	ssub.s32 @!p0 $0x0, s1;
	[sflag:s0] =	ssyncset.done @!p0 $0x0  }
0x6e: {  	[sflag:s0] =	ssyncadd.s32 @!p0 s1  }
0x6f: {  	[bflag:$0x3] =	sbarrier.arrive $0xFFFF  }
0x70: {  	_ =	shalt  }

</sc_bundles>
